<compile_context>
chip_gen: v7x
topology: tpu7x:2x2x1
jax: 0.10.2.dev20260603
libtpu: 0.0.44.dev20260713+nightly
codegen_flags: <defaults>
</compile_context>

<pallas_src>
import functools

import jax
import jax.numpy as jnp
from jax import lax
from jax.experimental import pallas as pl
from jax.experimental.pallas import tpu as pltpu
from jax.experimental.pallas import tpu_sc as plsc

B, L, D = 64, 512, 64
V = 1_000_000
N_TOK = B * L
N_W = 32
RPW = N_TOK // N_W
HALF = RPW // 2
CHUNK = 128
K = RPW // CHUNK
PW = 2 * D

_mesh = plsc.VectorSubcoreMesh(core_axis_name="c", subcore_axis_name="s")


@functools.partial(
    pl.kernel,
    out_type=jax.ShapeDtypeStruct((N_TOK, PW), jnp.float32),
    mesh=_mesh,
    scratch_types=[
        pltpu.VMEM((K, CHUNK), jnp.int32),
        pltpu.VMEM((HALF, PW), jnp.float32),
        pltpu.VMEM((L * D,), jnp.float32),
        pltpu.SemaphoreType.DMA,
        pltpu.SemaphoreType.DMA,
    ],
)
def _embed_sc(idx_hbm, table_hbm, pos_hbm, out_hbm, idx_v, rows_v, pos_v,
              gsem, psem):
    wid = lax.axis_index("s") * 2 + lax.axis_index("c")
    base = wid * RPW

    pos_cp = pltpu.async_copy(pos_hbm, pos_v, psem)
    pltpu.sync_copy(idx_hbm.at[pl.ds(wid * K, K)], idx_v)

    for h in range(2):
        gathers = [
            pltpu.async_copy(
                table_hbm.at[idx_v.at[h * (K // 2) + j]],
                rows_v.at[pl.ds(j * CHUNK, CHUNK)],
                gsem,
            )
            for j in range(K // 2)
        ]
        for g in gathers:
            g.wait()
        if h == 0:
            pos_cp.wait()

        @pl.loop(0, HALF)
        def _add(i):
            pbase = i * D
            for c in range(D // 16):
                sl = pl.ds(c * 16, 16)
                rows_v[i, sl] += pos_v[pl.ds(pbase + c * 16, 16)]

        pltpu.sync_copy(rows_v, out_hbm.at[pl.ds(base + h * HALF, HALF)])


def kernel(x, token_table, pos_embedding):
    idx = x.reshape(N_TOK // CHUNK, CHUNK).astype(jnp.int32)
    tbl = jnp.pad(token_table, ((0, 0), (0, PW - D)))
    pos = pos_embedding.reshape(-1)
    raw = _embed_sc(idx, tbl, pos)
    emb = raw[:, :D].reshape(B, L, D)
    return jax.lax.complex(emb[..., : D // 2], emb[..., D // 2 :])

# --- scband reference (transcript-rebuilt; emitter-appended) ---
"""Pipeline reference for scband-token-embedding-10883447128574 (READ-ONLY COPY).

The authoritative reference and input builder live on the scoring server;
editing this copy changes nothing except your own understanding.
"""

import jax, jax.numpy as jnp
import numpy as np

VOCAB = 1000000
D_COMPLEX = 32
MAX_SEQ_LEN = 512
B, L = 64, 512


def setup_inputs(seed: int = 0) -> dict:
    key = jax.random.key(seed)
    k1, k2, k3 = jax.random.split(key, 3)
    x = jax.random.randint(k1, (B, L), 0, VOCAB, dtype=jnp.int64 if jax.config.jax_enable_x64 else jnp.int32)
    token_table = jax.random.normal(k2, (VOCAB, D_COMPLEX * 2), dtype=jnp.float32)
    pos_embedding = jax.random.normal(k3, (1, MAX_SEQ_LEN, D_COMPLEX * 2), dtype=jnp.float32) * 0.02
    return {"x": x, "token_table": token_table, "pos_embedding": pos_embedding}


def reference(x, token_table, pos_embedding):
    Bx, Lx = x.shape
    # embedding lookup (gather)
    x_emb = jnp.take(token_table, x, axis=0)
    # add positional embedding (max_seq_len >= L branch)
    if MAX_SEQ_LEN >= Lx:
        x_emb = x_emb + pos_embedding[:, :Lx, :]
    else:
        x_emb = x_emb + pos_embedding[:, :min(Lx, MAX_SEQ_LEN), :]
    # dropout p=0.0 (eval / no-op)
    real, imag = jnp.split(x_emb, 2, axis=-1)
    return jax.lax.complex(real, imag)

if __name__ == "__main__":
    import jax
    _d = setup_inputs()
    print(jax.jit(kernel)(*tuple(_d.values())))

</pallas_src>

<mosaic_0001>
#map = affine_map<(d0, d1) -> (0, 0)>
#map1 = affine_map<(d0, d1) -> (0)>
module attributes {stable_mosaic.version = 14 : i64} {
  func.func @_embed_sc(%arg0: i32, %arg1: i32, %arg2: memref<256x128xi32, #tpu.memory_space<hbm>>, %arg3: memref<1000000x128xf32, #tpu.memory_space<hbm>>, %arg4: memref<32768xf32, #tpu.memory_space<hbm>>, %arg5: memref<32768x128xf32, #tpu.memory_space<hbm>>, %arg6: memref<8x128xi32, #tpu.memory_space<vmem>>, %arg7: memref<512x128xf32, #tpu.memory_space<vmem>>, %arg8: memref<32768xf32, #tpu.memory_space<vmem>>, %arg9: memref<!tpu.dma_semaphore, #tpu.memory_space<semaphore_mem>>, %arg10: memref<!tpu.dma_semaphore, #tpu.memory_space<semaphore_mem>>) attributes {dimension_semantics = [#tpu.dimension_semantics<core_parallel>, #tpu.dimension_semantics<subcore_parallel>], iteration_bounds = array<i64: 2, 16>, scalar_prefetch = 0 : i64, scratch_operands = 5 : i64, tpu.core_type = #tpu.core_type<sc_vector_subcore>, window_params = [{transform_indices = #map}, {transform_indices = #map}, {transform_indices = #map1}, {transform_indices = #map}]} {
    %mul3A = arith.constant 2 : i32
    %mul3A_0 = arith.muli %arg1, %mul3A : i32
    %add3A = arith.addi %mul3A_0, %arg0 : i32
    %mul3A_1 = arith.constant 1024 : i32
    %mul3A_2 = arith.muli %add3A, %mul3A_1 : i32
    tpu.enqueue_dma source(%arg4 : memref<32768xf32, #tpu.memory_space<hbm>>) target(%arg8 : memref<32768xf32, #tpu.memory_space<vmem>>) target_semaphore(%arg10 : memref<!tpu.dma_semaphore, #tpu.memory_space<semaphore_mem>>)
    %mul3A_3 = arith.constant 8 : i32
    %mul3A_4 = arith.muli %add3A, %mul3A_3 : i32
    "tpu.region"() ({
      %run_scoped3A = tpu.sem_alloc : memref<!tpu.dma_semaphore, #tpu.memory_space<semaphore_mem>>
      %dma_start3A_176 = arith.constant 0 : i32
      %dma_start3A_177 = tpu.memref_slice %arg2[%mul3A_4, %dma_start3A_176] : memref<256x128xi32, #tpu.memory_space<hbm>> -> memref<8x128xi32, #tpu.memory_space<hbm>>
      %dma_start3A_178 = arith.constant 0 : i32
      %dma_start3A_179 = tpu.memref_slice %arg2[%mul3A_4, %dma_start3A_178] : memref<256x128xi32, #tpu.memory_space<hbm>> -> memref<8x128xi32, #tpu.memory_space<hbm>>
      tpu.enqueue_dma source(%dma_start3A_179 : memref<8x128xi32, #tpu.memory_space<hbm>>) target(%arg6 : memref<8x128xi32, #tpu.memory_space<vmem>>) target_semaphore(%run_scoped3A : memref<!tpu.dma_semaphore, #tpu.memory_space<semaphore_mem>>)
      %dma_wait3A_180 = arith.constant 0 : i32
      %dma_wait3A_181 = tpu.memref_slice %arg2[%mul3A_4, %dma_wait3A_180] : memref<256x128xi32, #tpu.memory_space<hbm>> -> memref<8x128xi32, #tpu.memory_space<hbm>>
      %dma_wait3A_182 = arith.constant 0 : i32
      %dma_wait3A_183 = tpu.memref_slice %arg2[%mul3A_4, %dma_wait3A_182] : memref<256x128xi32, #tpu.memory_space<hbm>> -> memref<8x128xi32, #tpu.memory_space<hbm>>
      tpu.wait_dma2 semaphore(%run_scoped3A : memref<!tpu.dma_semaphore, #tpu.memory_space<semaphore_mem>>) src(%dma_wait3A_183 : memref<8x128xi32, #tpu.memory_space<hbm>>) dst(%arg6 : memref<8x128xi32, #tpu.memory_space<vmem>>)
      tpu.yield
    }) : () -> ()
    %dma_start3A = arith.constant 0 : i32
    %dma_start3A_5 = arith.constant 0 : i32
    %dma_start3A_6 = arith.constant 0 : i32
    %dma_start3A_7 = tpu.memref_slice %arg7[%dma_start3A_5, %dma_start3A_6] : memref<512x128xf32, #tpu.memory_space<vmem>> -> memref<128x128xf32, #tpu.memory_space<vmem>>
    %dma_start3A_8 = arith.constant 0 : i32
    %dma_start3A_9 = tpu.memref_slice %arg6[%dma_start3A, %dma_start3A_8] : memref<8x128xi32, #tpu.memory_space<vmem>> -> memref<1x128xi32, #tpu.memory_space<vmem>>
    %dma_start3A_10 = tpu.memref_squeeze %dma_start3A_9 : memref<1x128xi32, #tpu.memory_space<vmem>> -> memref<128xi32, #tpu.memory_space<vmem>>
    %dma_start3A_11 = arith.constant 0 : i32
    %dma_start3A_12 = arith.constant 0 : i32
    %dma_start3A_13 = tpu.memref_slice %arg3[%dma_start3A_11, %dma_start3A_12] : memref<1000000x128xf32, #tpu.memory_space<hbm>> -> memref<1000000x128xf32, #tpu.memory_space<hbm>>
    tpu.enqueue_indirect_dma source(%dma_start3A_13 : memref<1000000x128xf32, #tpu.memory_space<hbm>>) target(%dma_start3A_7 : memref<128x128xf32, #tpu.memory_space<vmem>>) offsets(%dma_start3A_10 : memref<128xi32, #tpu.memory_space<vmem>>) semaphore(%arg9 : memref<!tpu.dma_semaphore, #tpu.memory_space<semaphore_mem>>)
    %dma_start3A_14 = arith.constant 1 : i32
    %dma_start3A_15 = arith.constant 128 : i32
    %dma_start3A_16 = arith.constant 0 : i32
    %dma_start3A_17 = tpu.memref_slice %arg7[%dma_start3A_15, %dma_start3A_16] : memref<512x128xf32, #tpu.memory_space<vmem>> -> memref<128x128xf32, #tpu.memory_space<vmem>>
    %dma_start3A_18 = arith.constant 0 : i32
    %dma_start3A_19 = tpu.memref_slice %arg6[%dma_start3A_14, %dma_start3A_18] : memref<8x128xi32, #tpu.memory_space<vmem>> -> memref<1x128xi32, #tpu.memory_space<vmem>>
    %dma_start3A_20 = tpu.memref_squeeze %dma_start3A_19 : memref<1x128xi32, #tpu.memory_space<vmem>> -> memref<128xi32, #tpu.memory_space<vmem>>
    %dma_start3A_21 = arith.constant 0 : i32
    %dma_start3A_22 = arith.constant 0 : i32
    %dma_start3A_23 = tpu.memref_slice %arg3[%dma_start3A_21, %dma_start3A_22] : memref<1000000x128xf32, #tpu.memory_space<hbm>> -> memref<1000000x128xf32, #tpu.memory_space<hbm>>
    tpu.enqueue_indirect_dma source(%dma_start3A_23 : memref<1000000x128xf32, #tpu.memory_space<hbm>>) target(%dma_start3A_17 : memref<128x128xf32, #tpu.memory_space<vmem>>) offsets(%dma_start3A_20 : memref<128xi32, #tpu.memory_space<vmem>>) semaphore(%arg9 : memref<!tpu.dma_semaphore, #tpu.memory_space<semaphore_mem>>)
    %dma_start3A_24 = arith.constant 2 : i32
    %dma_start3A_25 = arith.constant 256 : i32
    %dma_start3A_26 = arith.constant 0 : i32
    %dma_start3A_27 = tpu.memref_slice %arg7[%dma_start3A_25, %dma_start3A_26] : memref<512x128xf32, #tpu.memory_space<vmem>> -> memref<128x128xf32, #tpu.memory_space<vmem>>
    %dma_start3A_28 = arith.constant 0 : i32
    %dma_start3A_29 = tpu.memref_slice %arg6[%dma_start3A_24, %dma_start3A_28] : memref<8x128xi32, #tpu.memory_space<vmem>> -> memref<1x128xi32, #tpu.memory_space<vmem>>
    %dma_start3A_30 = tpu.memref_squeeze %dma_start3A_29 : memref<1x128xi32, #tpu.memory_space<vmem>> -> memref<128xi32, #tpu.memory_space<vmem>>
    %dma_start3A_31 = arith.constant 0 : i32
    %dma_start3A_32 = arith.constant 0 : i32
    %dma_start3A_33 = tpu.memref_slice %arg3[%dma_start3A_31, %dma_start3A_32] : memref<1000000x128xf32, #tpu.memory_space<hbm>> -> memref<1000000x128xf32, #tpu.memory_space<hbm>>
    tpu.enqueue_indirect_dma source(%dma_start3A_33 : memref<1000000x128xf32, #tpu.memory_space<hbm>>) target(%dma_start3A_27 : memref<128x128xf32, #tpu.memory_space<vmem>>) offsets(%dma_start3A_30 : memref<128xi32, #tpu.memory_space<vmem>>) semaphore(%arg9 : memref<!tpu.dma_semaphore, #tpu.memory_space<semaphore_mem>>)
    %dma_start3A_34 = arith.constant 3 : i32
    %dma_start3A_35 = arith.constant 384 : i32
    %dma_start3A_36 = arith.constant 0 : i32
    %dma_start3A_37 = tpu.memref_slice %arg7[%dma_start3A_35, %dma_start3A_36] : memref<512x128xf32, #tpu.memory_space<vmem>> -> memref<128x128xf32, #tpu.memory_space<vmem>>
    %dma_start3A_38 = arith.constant 0 : i32
    %dma_start3A_39 = tpu.memref_slice %arg6[%dma_start3A_34, %dma_start3A_38] : memref<8x128xi32, #tpu.memory_space<vmem>> -> memref<1x128xi32, #tpu.memory_space<vmem>>
    %dma_start3A_40 = tpu.memref_squeeze %dma_start3A_39 : memref<1x128xi32, #tpu.memory_space<vmem>> -> memref<128xi32, #tpu.memory_space<vmem>>
    %dma_start3A_41 = arith.constant 0 : i32
    %dma_start3A_42 = arith.constant 0 : i32
    %dma_start3A_43 = tpu.memref_slice %arg3[%dma_start3A_41, %dma_start3A_42] : memref<1000000x128xf32, #tpu.memory_space<hbm>> -> memref<1000000x128xf32, #tpu.memory_space<hbm>>
    tpu.enqueue_indirect_dma source(%dma_start3A_43 : memref<1000000x128xf32, #tpu.memory_space<hbm>>) target(%dma_start3A_37 : memref<128x128xf32, #tpu.memory_space<vmem>>) offsets(%dma_start3A_40 : memref<128xi32, #tpu.memory_space<vmem>>) semaphore(%arg9 : memref<!tpu.dma_semaphore, #tpu.memory_space<semaphore_mem>>)
    %dma_wait3A = arith.constant 0 : i32
    %dma_wait3A_44 = arith.constant 0 : i32
    %dma_wait3A_45 = arith.constant 0 : i32
    %dma_wait3A_46 = tpu.memref_slice %arg7[%dma_wait3A_44, %dma_wait3A_45] : memref<512x128xf32, #tpu.memory_space<vmem>> -> memref<128x128xf32, #tpu.memory_space<vmem>>
    %dma_wait3A_47 = arith.constant 0 : i32
    %dma_wait3A_48 = tpu.memref_slice %arg6[%dma_wait3A, %dma_wait3A_47] : memref<8x128xi32, #tpu.memory_space<vmem>> -> memref<1x128xi32, #tpu.memory_space<vmem>>
    %dma_wait3A_49 = tpu.memref_squeeze %dma_wait3A_48 : memref<1x128xi32, #tpu.memory_space<vmem>> -> memref<128xi32, #tpu.memory_space<vmem>>
    %dma_wait3A_50 = arith.constant 0 : i32
    %dma_wait3A_51 = arith.constant 0 : i32
    %dma_wait3A_52 = tpu.memref_slice %arg3[%dma_wait3A_50, %dma_wait3A_51] : memref<1000000x128xf32, #tpu.memory_space<hbm>> -> memref<1000000x128xf32, #tpu.memory_space<hbm>>
    tpu.wait_indirect_dma semaphore(%arg9 : memref<!tpu.dma_semaphore, #tpu.memory_space<semaphore_mem>>) src(%dma_wait3A_52 : memref<1000000x128xf32, #tpu.memory_space<hbm>>) dst(%dma_wait3A_46 : memref<128x128xf32, #tpu.memory_space<vmem>>)
    %dma_wait3A_53 = arith.constant 1 : i32
    %dma_wait3A_54 = arith.constant 128 : i32
    %dma_wait3A_55 = arith.constant 0 : i32
    %dma_wait3A_56 = tpu.memref_slice %arg7[%dma_wait3A_54, %dma_wait3A_55] : memref<512x128xf32, #tpu.memory_space<vmem>> -> memref<128x128xf32, #tpu.memory_space<vmem>>
    %dma_wait3A_57 = arith.constant 0 : i32
    %dma_wait3A_58 = tpu.memref_slice %arg6[%dma_wait3A_53, %dma_wait3A_57] : memref<8x128xi32, #tpu.memory_space<vmem>> -> memref<1x128xi32, #tpu.memory_space<vmem>>
    %dma_wait3A_59 = tpu.memref_squeeze %dma_wait3A_58 : memref<1x128xi32, #tpu.memory_space<vmem>> -> memref<128xi32, #tpu.memory_space<vmem>>
    %dma_wait3A_60 = arith.constant 0 : i32
    %dma_wait3A_61 = arith.constant 0 : i32
    %dma_wait3A_62 = tpu.memref_slice %arg3[%dma_wait3A_60, %dma_wait3A_61] : memref<1000000x128xf32, #tpu.memory_space<hbm>> -> memref<1000000x128xf32, #tpu.memory_space<hbm>>
    tpu.wait_indirect_dma semaphore(%arg9 : memref<!tpu.dma_semaphore, #tpu.memory_space<semaphore_mem>>) src(%dma_wait3A_62 : memref<1000000x128xf32, #tpu.memory_space<hbm>>) dst(%dma_wait3A_56 : memref<128x128xf32, #tpu.memory_space<vmem>>)
    %dma_wait3A_63 = arith.constant 2 : i32
    %dma_wait3A_64 = arith.constant 256 : i32
    %dma_wait3A_65 = arith.constant 0 : i32
    %dma_wait3A_66 = tpu.memref_slice %arg7[%dma_wait3A_64, %dma_wait3A_65] : memref<512x128xf32, #tpu.memory_space<vmem>> -> memref<128x128xf32, #tpu.memory_space<vmem>>
    %dma_wait3A_67 = arith.constant 0 : i32
    %dma_wait3A_68 = tpu.memref_slice %arg6[%dma_wait3A_63, %dma_wait3A_67] : memref<8x128xi32, #tpu.memory_space<vmem>> -> memref<1x128xi32, #tpu.memory_space<vmem>>
    %dma_wait3A_69 = tpu.memref_squeeze %dma_wait3A_68 : memref<1x128xi32, #tpu.memory_space<vmem>> -> memref<128xi32, #tpu.memory_space<vmem>>
    %dma_wait3A_70 = arith.constant 0 : i32
    %dma_wait3A_71 = arith.constant 0 : i32
    %dma_wait3A_72 = tpu.memref_slice %arg3[%dma_wait3A_70, %dma_wait3A_71] : memref<1000000x128xf32, #tpu.memory_space<hbm>> -> memref<1000000x128xf32, #tpu.memory_space<hbm>>
    tpu.wait_indirect_dma semaphore(%arg9 : memref<!tpu.dma_semaphore, #tpu.memory_space<semaphore_mem>>) src(%dma_wait3A_72 : memref<1000000x128xf32, #tpu.memory_space<hbm>>) dst(%dma_wait3A_66 : memref<128x128xf32, #tpu.memory_space<vmem>>)
    %dma_wait3A_73 = arith.constant 3 : i32
    %dma_wait3A_74 = arith.constant 384 : i32
    %dma_wait3A_75 = arith.constant 0 : i32
    %dma_wait3A_76 = tpu.memref_slice %arg7[%dma_wait3A_74, %dma_wait3A_75] : memref<512x128xf32, #tpu.memory_space<vmem>> -> memref<128x128xf32, #tpu.memory_space<vmem>>
    %dma_wait3A_77 = arith.constant 0 : i32
    %dma_wait3A_78 = tpu.memref_slice %arg6[%dma_wait3A_73, %dma_wait3A_77] : memref<8x128xi32, #tpu.memory_space<vmem>> -> memref<1x128xi32, #tpu.memory_space<vmem>>
    %dma_wait3A_79 = tpu.memref_squeeze %dma_wait3A_78 : memref<1x128xi32, #tpu.memory_space<vmem>> -> memref<128xi32, #tpu.memory_space<vmem>>
    %dma_wait3A_80 = arith.constant 0 : i32
    %dma_wait3A_81 = arith.constant 0 : i32
    %dma_wait3A_82 = tpu.memref_slice %arg3[%dma_wait3A_80, %dma_wait3A_81] : memref<1000000x128xf32, #tpu.memory_space<hbm>> -> memref<1000000x128xf32, #tpu.memory_space<hbm>>
    tpu.wait_indirect_dma semaphore(%arg9 : memref<!tpu.dma_semaphore, #tpu.memory_space<semaphore_mem>>) src(%dma_wait3A_82 : memref<1000000x128xf32, #tpu.memory_space<hbm>>) dst(%dma_wait3A_76 : memref<128x128xf32, #tpu.memory_space<vmem>>)
    tpu.wait_dma2 semaphore(%arg10 : memref<!tpu.dma_semaphore, #tpu.memory_space<semaphore_mem>>) src(%arg4 : memref<32768xf32, #tpu.memory_space<hbm>>) dst(%arg8 : memref<32768xf32, #tpu.memory_space<vmem>>)
    %scan3A = arith.constant 0 : i32
    %scan3A_83 = arith.constant 512 : i32
    %scan3A_84 = arith.addi %scan3A, %scan3A_83 : i32
    %scan3A_85 = arith.constant 1 : i32
    scf.for %scan3A_176 = %scan3A to %scan3A_84 step %scan3A_85  : i32 {
      %mul3A_177 = arith.constant 1 : i32
      %mul3A_178 = arith.muli %scan3A_176, %mul3A_177 : i32
      %add3A_179 = arith.constant 0 : i32
      %add3A_180 = arith.addi %add3A_179, %mul3A_178 : i32
      %mul3A_181 = arith.constant 64 : i32
      %mul3A_182 = arith.muli %add3A_180, %mul3A_181 : i32
      %get3A = arith.index_cast %add3A_180 : i32 to index
      %get3A_183 = arith.constant 0 : index
      %get3A_184 = tpu.vector_load %arg7[%get3A, %get3A_183] {strides = array<i32>} : memref<512x128xf32, #tpu.memory_space<vmem>>, vector<1x16xf32>,
      %get3A_185 = vector.shape_cast %get3A_184 : vector<1x16xf32> to vector<16xf32>
      %add3A_186 = arith.constant 0 : i32
      %add3A_187 = arith.addi %mul3A_182, %add3A_186 : i32
      %get3A_188 = arith.index_cast %add3A_187 : i32 to index
      %get3A_189 = tpu.vector_load %arg8[%get3A_188] {strides = array<i32>} : memref<32768xf32, #tpu.memory_space<vmem>>, vector<16xf32>,
      %get3A_190 = vector.shape_cast %get3A_189 : vector<16xf32> to vector<16xf32>
      %add3A_191 = arith.addf %get3A_185, %get3A_190 : vector<16xf32>
      %swap3A = arith.index_cast %add3A_180 : i32 to index
      %swap3A_192 = arith.constant 0 : index
      %swap3A_193 = tpu.vector_load %arg7[%swap3A, %swap3A_192] {strides = array<i32>} : memref<512x128xf32, #tpu.memory_space<vmem>>, vector<1x16xf32>,
      %swap3A_194 = vector.shape_cast %swap3A_193 : vector<1x16xf32> to vector<16xf32>
      %swap3A_195 = vector.shape_cast %add3A_191 : vector<16xf32> to vector<1x16xf32>
      tpu.vector_store %arg7[%swap3A, %swap3A_192], %swap3A_195 {strides = array<i32>} : memref<512x128xf32, #tpu.memory_space<vmem>>, vector<1x16xf32>,
      %get3A_196 = arith.index_cast %add3A_180 : i32 to index
      %get3A_197 = arith.constant 16 : index
      %get3A_198 = tpu.vector_load %arg7[%get3A_196, %get3A_197] {strides = array<i32>} : memref<512x128xf32, #tpu.memory_space<vmem>>, vector<1x16xf32>,
      %get3A_199 = vector.shape_cast %get3A_198 : vector<1x16xf32> to vector<16xf32>
      %add3A_200 = arith.constant 16 : i32
      %add3A_201 = arith.addi %mul3A_182, %add3A_200 : i32
      %get3A_202 = arith.index_cast %add3A_201 : i32 to index
      %get3A_203 = tpu.vector_load %arg8[%get3A_202] {strides = array<i32>} : memref<32768xf32, #tpu.memory_space<vmem>>, vector<16xf32>,
      %get3A_204 = vector.shape_cast %get3A_203 : vector<16xf32> to vector<16xf32>
      %add3A_205 = arith.addf %get3A_199, %get3A_204 : vector<16xf32>
      %swap3A_206 = arith.index_cast %add3A_180 : i32 to index
      %swap3A_207 = arith.constant 16 : index
      %swap3A_208 = tpu.vector_load %arg7[%swap3A_206, %swap3A_207] {strides = array<i32>} : memref<512x128xf32, #tpu.memory_space<vmem>>, vector<1x16xf32>,
      %swap3A_209 = vector.shape_cast %swap3A_208 : vector<1x16xf32> to vector<16xf32>
      %swap3A_210 = vector.shape_cast %add3A_205 : vector<16xf32> to vector<1x16xf32>
      tpu.vector_store %arg7[%swap3A_206, %swap3A_207], %swap3A_210 {strides = array<i32>} : memref<512x128xf32, #tpu.memory_space<vmem>>, vector<1x16xf32>,
      %get3A_211 = arith.index_cast %add3A_180 : i32 to index
      %get3A_212 = arith.constant 32 : index
      %get3A_213 = tpu.vector_load %arg7[%get3A_211, %get3A_212] {strides = array<i32>} : memref<512x128xf32, #tpu.memory_space<vmem>>, vector<1x16xf32>,
      %get3A_214 = vector.shape_cast %get3A_213 : vector<1x16xf32> to vector<16xf32>
      %add3A_215 = arith.constant 32 : i32
      %add3A_216 = arith.addi %mul3A_182, %add3A_215 : i32
      %get3A_217 = arith.index_cast %add3A_216 : i32 to index
      %get3A_218 = tpu.vector_load %arg8[%get3A_217] {strides = array<i32>} : memref<32768xf32, #tpu.memory_space<vmem>>, vector<16xf32>,
      %get3A_219 = vector.shape_cast %get3A_218 : vector<16xf32> to vector<16xf32>
      %add3A_220 = arith.addf %get3A_214, %get3A_219 : vector<16xf32>
      %swap3A_221 = arith.index_cast %add3A_180 : i32 to index
      %swap3A_222 = arith.constant 32 : index
      %swap3A_223 = tpu.vector_load %arg7[%swap3A_221, %swap3A_222] {strides = array<i32>} : memref<512x128xf32, #tpu.memory_space<vmem>>, vector<1x16xf32>,
      %swap3A_224 = vector.shape_cast %swap3A_223 : vector<1x16xf32> to vector<16xf32>
      %swap3A_225 = vector.shape_cast %add3A_220 : vector<16xf32> to vector<1x16xf32>
      tpu.vector_store %arg7[%swap3A_221, %swap3A_222], %swap3A_225 {strides = array<i32>} : memref<512x128xf32, #tpu.memory_space<vmem>>, vector<1x16xf32>,
      %get3A_226 = arith.index_cast %add3A_180 : i32 to index
      %get3A_227 = arith.constant 48 : index
      %get3A_228 = tpu.vector_load %arg7[%get3A_226, %get3A_227] {strides = array<i32>} : memref<512x128xf32, #tpu.memory_space<vmem>>, vector<1x16xf32>,
      %get3A_229 = vector.shape_cast %get3A_228 : vector<1x16xf32> to vector<16xf32>
      %add3A_230 = arith.constant 48 : i32
      %add3A_231 = arith.addi %mul3A_182, %add3A_230 : i32
      %get3A_232 = arith.index_cast %add3A_231 : i32 to index
      %get3A_233 = tpu.vector_load %arg8[%get3A_232] {strides = array<i32>} : memref<32768xf32, #tpu.memory_space<vmem>>, vector<16xf32>,
      %get3A_234 = vector.shape_cast %get3A_233 : vector<16xf32> to vector<16xf32>
      %add3A_235 = arith.addf %get3A_229, %get3A_234 : vector<16xf32>
      %swap3A_236 = arith.index_cast %add3A_180 : i32 to index
      %swap3A_237 = arith.constant 48 : index
      %swap3A_238 = tpu.vector_load %arg7[%swap3A_236, %swap3A_237] {strides = array<i32>} : memref<512x128xf32, #tpu.memory_space<vmem>>, vector<1x16xf32>,
      %swap3A_239 = vector.shape_cast %swap3A_238 : vector<1x16xf32> to vector<16xf32>
      %swap3A_240 = vector.shape_cast %add3A_235 : vector<16xf32> to vector<1x16xf32>
      tpu.vector_store %arg7[%swap3A_236, %swap3A_237], %swap3A_240 {strides = array<i32>} : memref<512x128xf32, #tpu.memory_space<vmem>>, vector<1x16xf32>,
    }
    %scan3A_86 = arith.constant 512 : i32
    %add3A_87 = arith.constant 0 : i32
    %add3A_88 = arith.addi %mul3A_2, %add3A_87 : i32
    "tpu.region"() ({
      %run_scoped3A = tpu.sem_alloc : memref<!tpu.dma_semaphore, #tpu.memory_space<semaphore_mem>>
      %dma_start3A_176 = arith.constant 0 : i32
      %dma_start3A_177 = tpu.memref_slice %arg5[%add3A_88, %dma_start3A_176] : memref<32768x128xf32, #tpu.memory_space<hbm>> -> memref<512x128xf32, #tpu.memory_space<hbm>>
      %dma_start3A_178 = arith.constant 0 : i32
      %dma_start3A_179 = tpu.memref_slice %arg5[%add3A_88, %dma_start3A_178] : memref<32768x128xf32, #tpu.memory_space<hbm>> -> memref<512x128xf32, #tpu.memory_space<hbm>>
      tpu.enqueue_dma source(%arg7 : memref<512x128xf32, #tpu.memory_space<vmem>>) target(%dma_start3A_179 : memref<512x128xf32, #tpu.memory_space<hbm>>) target_semaphore(%run_scoped3A : memref<!tpu.dma_semaphore, #tpu.memory_space<semaphore_mem>>)
      %dma_wait3A_180 = arith.constant 0 : i32
      %dma_wait3A_181 = tpu.memref_slice %arg5[%add3A_88, %dma_wait3A_180] : memref<32768x128xf32, #tpu.memory_space<hbm>> -> memref<512x128xf32, #tpu.memory_space<hbm>>
      %dma_wait3A_182 = arith.constant 0 : i32
      %dma_wait3A_183 = tpu.memref_slice %arg5[%add3A_88, %dma_wait3A_182] : memref<32768x128xf32, #tpu.memory_space<hbm>> -> memref<512x128xf32, #tpu.memory_space<hbm>>
      tpu.wait_dma2 semaphore(%run_scoped3A : memref<!tpu.dma_semaphore, #tpu.memory_space<semaphore_mem>>) src(%arg7 : memref<512x128xf32, #tpu.memory_space<vmem>>) dst(%dma_wait3A_183 : memref<512x128xf32, #tpu.memory_space<hbm>>)
      tpu.yield
    }) : () -> ()
    %dma_start3A_89 = arith.constant 4 : i32
    %dma_start3A_90 = arith.constant 0 : i32
    %dma_start3A_91 = arith.constant 0 : i32
    %dma_start3A_92 = tpu.memref_slice %arg7[%dma_start3A_90, %dma_start3A_91] : memref<512x128xf32, #tpu.memory_space<vmem>> -> memref<128x128xf32, #tpu.memory_space<vmem>>
    %dma_start3A_93 = arith.constant 0 : i32
    %dma_start3A_94 = tpu.memref_slice %arg6[%dma_start3A_89, %dma_start3A_93] : memref<8x128xi32, #tpu.memory_space<vmem>> -> memref<1x128xi32, #tpu.memory_space<vmem>>
    %dma_start3A_95 = tpu.memref_squeeze %dma_start3A_94 : memref<1x128xi32, #tpu.memory_space<vmem>> -> memref<128xi32, #tpu.memory_space<vmem>>
    %dma_start3A_96 = arith.constant 0 : i32
    %dma_start3A_97 = arith.constant 0 : i32
    %dma_start3A_98 = tpu.memref_slice %arg3[%dma_start3A_96, %dma_start3A_97] : memref<1000000x128xf32, #tpu.memory_space<hbm>> -> memref<1000000x128xf32, #tpu.memory_space<hbm>>
    tpu.enqueue_indirect_dma source(%dma_start3A_98 : memref<1000000x128xf32, #tpu.memory_space<hbm>>) target(%dma_start3A_92 : memref<128x128xf32, #tpu.memory_space<vmem>>) offsets(%dma_start3A_95 : memref<128xi32, #tpu.memory_space<vmem>>) semaphore(%arg9 : memref<!tpu.dma_semaphore, #tpu.memory_space<semaphore_mem>>)
    %dma_start3A_99 = arith.constant 5 : i32
    %dma_start3A_100 = arith.constant 128 : i32
    %dma_start3A_101 = arith.constant 0 : i32
    %dma_start3A_102 = tpu.memref_slice %arg7[%dma_start3A_100, %dma_start3A_101] : memref<512x128xf32, #tpu.memory_space<vmem>> -> memref<128x128xf32, #tpu.memory_space<vmem>>
    %dma_start3A_103 = arith.constant 0 : i32
    %dma_start3A_104 = tpu.memref_slice %arg6[%dma_start3A_99, %dma_start3A_103] : memref<8x128xi32, #tpu.memory_space<vmem>> -> memref<1x128xi32, #tpu.memory_space<vmem>>
    %dma_start3A_105 = tpu.memref_squeeze %dma_start3A_104 : memref<1x128xi32, #tpu.memory_space<vmem>> -> memref<128xi32, #tpu.memory_space<vmem>>
    %dma_start3A_106 = arith.constant 0 : i32
    %dma_start3A_107 = arith.constant 0 : i32
    %dma_start3A_108 = tpu.memref_slice %arg3[%dma_start3A_106, %dma_start3A_107] : memref<1000000x128xf32, #tpu.memory_space<hbm>> -> memref<1000000x128xf32, #tpu.memory_space<hbm>>
    tpu.enqueue_indirect_dma source(%dma_start3A_108 : memref<1000000x128xf32, #tpu.memory_space<hbm>>) target(%dma_start3A_102 : memref<128x128xf32, #tpu.memory_space<vmem>>) offsets(%dma_start3A_105 : memref<128xi32, #tpu.memory_space<vmem>>) semaphore(%arg9 : memref<!tpu.dma_semaphore, #tpu.memory_space<semaphore_mem>>)
    %dma_start3A_109 = arith.constant 6 : i32
    %dma_start3A_110 = arith.constant 256 : i32
    %dma_start3A_111 = arith.constant 0 : i32
    %dma_start3A_112 = tpu.memref_slice %arg7[%dma_start3A_110, %dma_start3A_111] : memref<512x128xf32, #tpu.memory_space<vmem>> -> memref<128x128xf32, #tpu.memory_space<vmem>>
    %dma_start3A_113 = arith.constant 0 : i32
    %dma_start3A_114 = tpu.memref_slice %arg6[%dma_start3A_109, %dma_start3A_113] : memref<8x128xi32, #tpu.memory_space<vmem>> -> memref<1x128xi32, #tpu.memory_space<vmem>>
    %dma_start3A_115 = tpu.memref_squeeze %dma_start3A_114 : memref<1x128xi32, #tpu.memory_space<vmem>> -> memref<128xi32, #tpu.memory_space<vmem>>
    %dma_start3A_116 = arith.constant 0 : i32
    %dma_start3A_117 = arith.constant 0 : i32
    %dma_start3A_118 = tpu.memref_slice %arg3[%dma_start3A_116, %dma_start3A_117] : memref<1000000x128xf32, #tpu.memory_space<hbm>> -> memref<1000000x128xf32, #tpu.memory_space<hbm>>
    tpu.enqueue_indirect_dma source(%dma_start3A_118 : memref<1000000x128xf32, #tpu.memory_space<hbm>>) target(%dma_start3A_112 : memref<128x128xf32, #tpu.memory_space<vmem>>) offsets(%dma_start3A_115 : memref<128xi32, #tpu.memory_space<vmem>>) semaphore(%arg9 : memref<!tpu.dma_semaphore, #tpu.memory_space<semaphore_mem>>)
    %dma_start3A_119 = arith.constant 7 : i32
    %dma_start3A_120 = arith.constant 384 : i32
    %dma_start3A_121 = arith.constant 0 : i32
    %dma_start3A_122 = tpu.memref_slice %arg7[%dma_start3A_120, %dma_start3A_121] : memref<512x128xf32, #tpu.memory_space<vmem>> -> memref<128x128xf32, #tpu.memory_space<vmem>>
    %dma_start3A_123 = arith.constant 0 : i32
    %dma_start3A_124 = tpu.memref_slice %arg6[%dma_start3A_119, %dma_start3A_123] : memref<8x128xi32, #tpu.memory_space<vmem>> -> memref<1x128xi32, #tpu.memory_space<vmem>>
    %dma_start3A_125 = tpu.memref_squeeze %dma_start3A_124 : memref<1x128xi32, #tpu.memory_space<vmem>> -> memref<128xi32, #tpu.memory_space<vmem>>
    %dma_start3A_126 = arith.constant 0 : i32
    %dma_start3A_127 = arith.constant 0 : i32
    %dma_start3A_128 = tpu.memref_slice %arg3[%dma_start3A_126, %dma_start3A_127] : memref<1000000x128xf32, #tpu.memory_space<hbm>> -> memref<1000000x128xf32, #tpu.memory_space<hbm>>
    tpu.enqueue_indirect_dma source(%dma_start3A_128 : memref<1000000x128xf32, #tpu.memory_space<hbm>>) target(%dma_start3A_122 : memref<128x128xf32, #tpu.memory_space<vmem>>) offsets(%dma_start3A_125 : memref<128xi32, #tpu.memory_space<vmem>>) semaphore(%arg9 : memref<!tpu.dma_semaphore, #tpu.memory_space<semaphore_mem>>)
    %dma_wait3A_129 = arith.constant 4 : i32
    %dma_wait3A_130 = arith.constant 0 : i32
    %dma_wait3A_131 = arith.constant 0 : i32
    %dma_wait3A_132 = tpu.memref_slice %arg7[%dma_wait3A_130, %dma_wait3A_131] : memref<512x128xf32, #tpu.memory_space<vmem>> -> memref<128x128xf32, #tpu.memory_space<vmem>>
    %dma_wait3A_133 = arith.constant 0 : i32
    %dma_wait3A_134 = tpu.memref_slice %arg6[%dma_wait3A_129, %dma_wait3A_133] : memref<8x128xi32, #tpu.memory_space<vmem>> -> memref<1x128xi32, #tpu.memory_space<vmem>>
    %dma_wait3A_135 = tpu.memref_squeeze %dma_wait3A_134 : memref<1x128xi32, #tpu.memory_space<vmem>> -> memref<128xi32, #tpu.memory_space<vmem>>
    %dma_wait3A_136 = arith.constant 0 : i32
    %dma_wait3A_137 = arith.constant 0 : i32
    %dma_wait3A_138 = tpu.memref_slice %arg3[%dma_wait3A_136, %dma_wait3A_137] : memref<1000000x128xf32, #tpu.memory_space<hbm>> -> memref<1000000x128xf32, #tpu.memory_space<hbm>>
    tpu.wait_indirect_dma semaphore(%arg9 : memref<!tpu.dma_semaphore, #tpu.memory_space<semaphore_mem>>) src(%dma_wait3A_138 : memref<1000000x128xf32, #tpu.memory_space<hbm>>) dst(%dma_wait3A_132 : memref<128x128xf32, #tpu.memory_space<vmem>>)
    %dma_wait3A_139 = arith.constant 5 : i32
    %dma_wait3A_140 = arith.constant 128 : i32
    %dma_wait3A_141 = arith.constant 0 : i32
    %dma_wait3A_142 = tpu.memref_slice %arg7[%dma_wait3A_140, %dma_wait3A_141] : memref<512x128xf32, #tpu.memory_space<vmem>> -> memref<128x128xf32, #tpu.memory_space<vmem>>
    %dma_wait3A_143 = arith.constant 0 : i32
    %dma_wait3A_144 = tpu.memref_slice %arg6[%dma_wait3A_139, %dma_wait3A_143] : memref<8x128xi32, #tpu.memory_space<vmem>> -> memref<1x128xi32, #tpu.memory_space<vmem>>
    %dma_wait3A_145 = tpu.memref_squeeze %dma_wait3A_144 : memref<1x128xi32, #tpu.memory_space<vmem>> -> memref<128xi32, #tpu.memory_space<vmem>>
    %dma_wait3A_146 = arith.constant 0 : i32
    %dma_wait3A_147 = arith.constant 0 : i32
    %dma_wait3A_148 = tpu.memref_slice %arg3[%dma_wait3A_146, %dma_wait3A_147] : memref<1000000x128xf32, #tpu.memory_space<hbm>> -> memref<1000000x128xf32, #tpu.memory_space<hbm>>
    tpu.wait_indirect_dma semaphore(%arg9 : memref<!tpu.dma_semaphore, #tpu.memory_space<semaphore_mem>>) src(%dma_wait3A_148 : memref<1000000x128xf32, #tpu.memory_space<hbm>>) dst(%dma_wait3A_142 : memref<128x128xf32, #tpu.memory_space<vmem>>)
    %dma_wait3A_149 = arith.constant 6 : i32
    %dma_wait3A_150 = arith.constant 256 : i32
    %dma_wait3A_151 = arith.constant 0 : i32
    %dma_wait3A_152 = tpu.memref_slice %arg7[%dma_wait3A_150, %dma_wait3A_151] : memref<512x128xf32, #tpu.memory_space<vmem>> -> memref<128x128xf32, #tpu.memory_space<vmem>>
    %dma_wait3A_153 = arith.constant 0 : i32
    %dma_wait3A_154 = tpu.memref_slice %arg6[%dma_wait3A_149, %dma_wait3A_153] : memref<8x128xi32, #tpu.memory_space<vmem>> -> memref<1x128xi32, #tpu.memory_space<vmem>>
    %dma_wait3A_155 = tpu.memref_squeeze %dma_wait3A_154 : memref<1x128xi32, #tpu.memory_space<vmem>> -> memref<128xi32, #tpu.memory_space<vmem>>
    %dma_wait3A_156 = arith.constant 0 : i32
    %dma_wait3A_157 = arith.constant 0 : i32
    %dma_wait3A_158 = tpu.memref_slice %arg3[%dma_wait3A_156, %dma_wait3A_157] : memref<1000000x128xf32, #tpu.memory_space<hbm>> -> memref<1000000x128xf32, #tpu.memory_space<hbm>>
    tpu.wait_indirect_dma semaphore(%arg9 : memref<!tpu.dma_semaphore, #tpu.memory_space<semaphore_mem>>) src(%dma_wait3A_158 : memref<1000000x128xf32, #tpu.memory_space<hbm>>) dst(%dma_wait3A_152 : memref<128x128xf32, #tpu.memory_space<vmem>>)
    %dma_wait3A_159 = arith.constant 7 : i32
    %dma_wait3A_160 = arith.constant 384 : i32
    %dma_wait3A_161 = arith.constant 0 : i32
    %dma_wait3A_162 = tpu.memref_slice %arg7[%dma_wait3A_160, %dma_wait3A_161] : memref<512x128xf32, #tpu.memory_space<vmem>> -> memref<128x128xf32, #tpu.memory_space<vmem>>
    %dma_wait3A_163 = arith.constant 0 : i32
    %dma_wait3A_164 = tpu.memref_slice %arg6[%dma_wait3A_159, %dma_wait3A_163] : memref<8x128xi32, #tpu.memory_space<vmem>> -> memref<1x128xi32, #tpu.memory_space<vmem>>
    %dma_wait3A_165 = tpu.memref_squeeze %dma_wait3A_164 : memref<1x128xi32, #tpu.memory_space<vmem>> -> memref<128xi32, #tpu.memory_space<vmem>>
    %dma_wait3A_166 = arith.constant 0 : i32
    %dma_wait3A_167 = arith.constant 0 : i32
    %dma_wait3A_168 = tpu.memref_slice %arg3[%dma_wait3A_166, %dma_wait3A_167] : memref<1000000x128xf32, #tpu.memory_space<hbm>> -> memref<1000000x128xf32, #tpu.memory_space<hbm>>
    tpu.wait_indirect_dma semaphore(%arg9 : memref<!tpu.dma_semaphore, #tpu.memory_space<semaphore_mem>>) src(%dma_wait3A_168 : memref<1000000x128xf32, #tpu.memory_space<hbm>>) dst(%dma_wait3A_162 : memref<128x128xf32, #tpu.memory_space<vmem>>)
    %scan3A_169 = arith.constant 0 : i32
    %scan3A_170 = arith.constant 512 : i32
    %scan3A_171 = arith.addi %scan3A_169, %scan3A_170 : i32
    %scan3A_172 = arith.constant 1 : i32
    scf.for %scan3A_176 = %scan3A_169 to %scan3A_171 step %scan3A_172  : i32 {
      %mul3A_177 = arith.constant 1 : i32
      %mul3A_178 = arith.muli %scan3A_176, %mul3A_177 : i32
      %add3A_179 = arith.constant 0 : i32
      %add3A_180 = arith.addi %add3A_179, %mul3A_178 : i32
      %mul3A_181 = arith.constant 64 : i32
      %mul3A_182 = arith.muli %add3A_180, %mul3A_181 : i32
      %get3A = arith.index_cast %add3A_180 : i32 to index
      %get3A_183 = arith.constant 0 : index
      %get3A_184 = tpu.vector_load %arg7[%get3A, %get3A_183] {strides = array<i32>} : memref<512x128xf32, #tpu.memory_space<vmem>>, vector<1x16xf32>,
      %get3A_185 = vector.shape_cast %get3A_184 : vector<1x16xf32> to vector<16xf32>
      %add3A_186 = arith.constant 0 : i32
      %add3A_187 = arith.addi %mul3A_182, %add3A_186 : i32
      %get3A_188 = arith.index_cast %add3A_187 : i32 to index
      %get3A_189 = tpu.vector_load %arg8[%get3A_188] {strides = array<i32>} : memref<32768xf32, #tpu.memory_space<vmem>>, vector<16xf32>,
      %get3A_190 = vector.shape_cast %get3A_189 : vector<16xf32> to vector<16xf32>
      %add3A_191 = arith.addf %get3A_185, %get3A_190 : vector<16xf32>
      %swap3A = arith.index_cast %add3A_180 : i32 to index
      %swap3A_192 = arith.constant 0 : index
      %swap3A_193 = tpu.vector_load %arg7[%swap3A, %swap3A_192] {strides = array<i32>} : memref<512x128xf32, #tpu.memory_space<vmem>>, vector<1x16xf32>,
      %swap3A_194 = vector.shape_cast %swap3A_193 : vector<1x16xf32> to vector<16xf32>
      %swap3A_195 = vector.shape_cast %add3A_191 : vector<16xf32> to vector<1x16xf32>
      tpu.vector_store %arg7[%swap3A, %swap3A_192], %swap3A_195 {strides = array<i32>} : memref<512x128xf32, #tpu.memory_space<vmem>>, vector<1x16xf32>,
      %get3A_196 = arith.index_cast %add3A_180 : i32 to index
      %get3A_197 = arith.constant 16 : index
      %get3A_198 = tpu.vector_load %arg7[%get3A_196, %get3A_197] {strides = array<i32>} : memref<512x128xf32, #tpu.memory_space<vmem>>, vector<1x16xf32>,
      %get3A_199 = vector.shape_cast %get3A_198 : vector<1x16xf32> to vector<16xf32>
      %add3A_200 = arith.constant 16 : i32
      %add3A_201 = arith.addi %mul3A_182, %add3A_200 : i32
      %get3A_202 = arith.index_cast %add3A_201 : i32 to index
      %get3A_203 = tpu.vector_load %arg8[%get3A_202] {strides = array<i32>} : memref<32768xf32, #tpu.memory_space<vmem>>, vector<16xf32>,
      %get3A_204 = vector.shape_cast %get3A_203 : vector<16xf32> to vector<16xf32>
      %add3A_205 = arith.addf %get3A_199, %get3A_204 : vector<16xf32>
      %swap3A_206 = arith.index_cast %add3A_180 : i32 to index
      %swap3A_207 = arith.constant 16 : index
      %swap3A_208 = tpu.vector_load %arg7[%swap3A_206, %swap3A_207] {strides = array<i32>} : memref<512x128xf32, #tpu.memory_space<vmem>>, vector<1x16xf32>,
      %swap3A_209 = vector.shape_cast %swap3A_208 : vector<1x16xf32> to vector<16xf32>
      %swap3A_210 = vector.shape_cast %add3A_205 : vector<16xf32> to vector<1x16xf32>
      tpu.vector_store %arg7[%swap3A_206, %swap3A_207], %swap3A_210 {strides = array<i32>} : memref<512x128xf32, #tpu.memory_space<vmem>>, vector<1x16xf32>,
      %get3A_211 = arith.index_cast %add3A_180 : i32 to index
      %get3A_212 = arith.constant 32 : index
      %get3A_213 = tpu.vector_load %arg7[%get3A_211, %get3A_212] {strides = array<i32>} : memref<512x128xf32, #tpu.memory_space<vmem>>, vector<1x16xf32>,
      %get3A_214 = vector.shape_cast %get3A_213 : vector<1x16xf32> to vector<16xf32>
      %add3A_215 = arith.constant 32 : i32
      %add3A_216 = arith.addi %mul3A_182, %add3A_215 : i32
      %get3A_217 = arith.index_cast %add3A_216 : i32 to index
      %get3A_218 = tpu.vector_load %arg8[%get3A_217] {strides = array<i32>} : memref<32768xf32, #tpu.memory_space<vmem>>, vector<16xf32>,
      %get3A_219 = vector.shape_cast %get3A_218 : vector<16xf32> to vector<16xf32>
      %add3A_220 = arith.addf %get3A_214, %get3A_219 : vector<16xf32>
      %swap3A_221 = arith.index_cast %add3A_180 : i32 to index
      %swap3A_222 = arith.constant 32 : index
      %swap3A_223 = tpu.vector_load %arg7[%swap3A_221, %swap3A_222] {strides = array<i32>} : memref<512x128xf32, #tpu.memory_space<vmem>>, vector<1x16xf32>,
      %swap3A_224 = vector.shape_cast %swap3A_223 : vector<1x16xf32> to vector<16xf32>
      %swap3A_225 = vector.shape_cast %add3A_220 : vector<16xf32> to vector<1x16xf32>
      tpu.vector_store %arg7[%swap3A_221, %swap3A_222], %swap3A_225 {strides = array<i32>} : memref<512x128xf32, #tpu.memory_space<vmem>>, vector<1x16xf32>,
      %get3A_226 = arith.index_cast %add3A_180 : i32 to index
      %get3A_227 = arith.constant 48 : index
      %get3A_228 = tpu.vector_load %arg7[%get3A_226, %get3A_227] {strides = array<i32>} : memref<512x128xf32, #tpu.memory_space<vmem>>, vector<1x16xf32>,
      %get3A_229 = vector.shape_cast %get3A_228 : vector<1x16xf32> to vector<16xf32>
      %add3A_230 = arith.constant 48 : i32
      %add3A_231 = arith.addi %mul3A_182, %add3A_230 : i32
      %get3A_232 = arith.index_cast %add3A_231 : i32 to index
      %get3A_233 = tpu.vector_load %arg8[%get3A_232] {strides = array<i32>} : memref<32768xf32, #tpu.memory_space<vmem>>, vector<16xf32>,
      %get3A_234 = vector.shape_cast %get3A_233 : vector<16xf32> to vector<16xf32>
      %add3A_235 = arith.addf %get3A_229, %get3A_234 : vector<16xf32>
      %swap3A_236 = arith.index_cast %add3A_180 : i32 to index
      %swap3A_237 = arith.constant 48 : index
      %swap3A_238 = tpu.vector_load %arg7[%swap3A_236, %swap3A_237] {strides = array<i32>} : memref<512x128xf32, #tpu.memory_space<vmem>>, vector<1x16xf32>,
      %swap3A_239 = vector.shape_cast %swap3A_238 : vector<1x16xf32> to vector<16xf32>
      %swap3A_240 = vector.shape_cast %add3A_235 : vector<16xf32> to vector<1x16xf32>
      tpu.vector_store %arg7[%swap3A_236, %swap3A_237], %swap3A_240 {strides = array<i32>} : memref<512x128xf32, #tpu.memory_space<vmem>>, vector<1x16xf32>,
    }
    %scan3A_173 = arith.constant 512 : i32
    %add3A_174 = arith.constant 512 : i32
    %add3A_175 = arith.addi %mul3A_2, %add3A_174 : i32
    "tpu.region"() ({
      %run_scoped3A = tpu.sem_alloc : memref<!tpu.dma_semaphore, #tpu.memory_space<semaphore_mem>>
      %dma_start3A_176 = arith.constant 0 : i32
      %dma_start3A_177 = tpu.memref_slice %arg5[%add3A_175, %dma_start3A_176] : memref<32768x128xf32, #tpu.memory_space<hbm>> -> memref<512x128xf32, #tpu.memory_space<hbm>>
      %dma_start3A_178 = arith.constant 0 : i32
      %dma_start3A_179 = tpu.memref_slice %arg5[%add3A_175, %dma_start3A_178] : memref<32768x128xf32, #tpu.memory_space<hbm>> -> memref<512x128xf32, #tpu.memory_space<hbm>>
      tpu.enqueue_dma source(%arg7 : memref<512x128xf32, #tpu.memory_space<vmem>>) target(%dma_start3A_179 : memref<512x128xf32, #tpu.memory_space<hbm>>) target_semaphore(%run_scoped3A : memref<!tpu.dma_semaphore, #tpu.memory_space<semaphore_mem>>)
      %dma_wait3A_180 = arith.constant 0 : i32
      %dma_wait3A_181 = tpu.memref_slice %arg5[%add3A_175, %dma_wait3A_180] : memref<32768x128xf32, #tpu.memory_space<hbm>> -> memref<512x128xf32, #tpu.memory_space<hbm>>
      %dma_wait3A_182 = arith.constant 0 : i32
      %dma_wait3A_183 = tpu.memref_slice %arg5[%add3A_175, %dma_wait3A_182] : memref<32768x128xf32, #tpu.memory_space<hbm>> -> memref<512x128xf32, #tpu.memory_space<hbm>>
      tpu.wait_dma2 semaphore(%run_scoped3A : memref<!tpu.dma_semaphore, #tpu.memory_space<semaphore_mem>>) src(%arg7 : memref<512x128xf32, #tpu.memory_space<vmem>>) dst(%dma_wait3A_183 : memref<512x128xf32, #tpu.memory_space<hbm>>)
      tpu.yield
    }) : () -> ()
    return
  }
}

</mosaic_0001>

<sc_bundles>
// kernel: kernel.3.cloned.1.call-start
scs
__scs_entry_jumppad:
0x0: {  	(pc) =	sbr.rel $0x88, $3  }
0x1: {  	(tag) =	ssettag $0x0;
	lr =	simm.s32 $0x1  }
0x2: {  	[smem:$0x3F9E] =	sst lr;
	_ =	strace $0xD0000000  }
0x3: {  	_ = 	snop  }
0x4: {  	_ = 	snop  }
0x5: {  	_ = 	snop  }
0x6: {  	_ = 	snop  }
0x7: {  	_ = 	snop  }
__scs_overlays_trampoline_lowered:
0x8: {  	[smem:$0x3FAD] =	sst s0  }
0x9: {  	[smem:$0x3FAE] =	sst s1  }
0xa: {  	[smem:$0x3FAF] =	sst s2  }
0xb: {  	[smem:$0x3FB0] =	sst s3  }
0xc: {  	[smem:$0x3FB1] =	sst s4  }
0xd: {  	[smem:$0x3FB2] =	sst s5  }
0xe: {  	[smem:$0x3FB3] =	sst s6  }
0xf: {  	[smem:$0x3FB4] =	sst s7  }
0x10: {  	[smem:$0x3FB5] =	sst s8  }
0x11: {  	[smem:$0x3FB6] =	sst s9;
	s0 =	simm.s32 @!p0 $0x0  }
0x12: {  	s1 =	sld [smem:$0x3F9C];
	s0 =	simm.s32 @p0 $0x1  }
0x13: {  	[smem:$0x3FB7] =	sst s0;
	s0 =	simm.s32 @!p1 $0x0  }
0x14: {  	s2 =	sld [smem:$0x3F9B];
	s0 =	simm.s32 @p1 $0x1  }
0x15: {  	[smem:$0x3FB8] =	sst s0;
	s0 =	simm.s32 @!p2 $0x0  }
0x16: {  	s3 =	sld [smem:$0x3FDB];
	s0 =	simm.s32 @p2 $0x1  }
0x17: {  	s4 =	simm.s32 $0x1BF5;
	[smem:$0x3FBA] =	sst s0  }
0x18: {  	s0 =	sld [smem:$0x3F9D];
	_ =	swait.ge [sflag:s4], $0x0  }
0x19: {  	s7 =	sld [smem:$0x3F9E]  }
0x1a: {  	s8 =	sadd.s32 $0xFFFFE003, lr  }
0x1b: {  	s9 =	sadd.s32 $0xFFFFFEF7, lr;
	s5 =	simm.s32 $0xFFFFFFFF;
	p2 =	slt.u32 s8, $0xFFFFF086  }
0x1c: {  	p1 =	slt.u32 s9, $0xF7A;
	s5 =	simm.s32 @!p2 $0x0  }
0x1d: {  	s5 =	simm.s32 @p1 $0x1;
	p0 =	seq.s32 s7, s2  }
0x1e: {  	s7 =	smul.u32 @!p0 $0xF7A, s2;
	p2 =	seq.s32 @!p0 s5, $0x0  }
0x1f: {  	s9 =	smul.u32 $0xF7A, s1;
	s8 =	simm.s32 @!p0 $0x1BF5;
	p2 =	por !p2, p0  }
0x20: {  	[sflag:s8] =	ssyncset.s32 @!p0 $0xFFFFF086;
	s6 =	sadd.s32 @!p0 s3, s7;
	s7 =	simm.s32 @!p0 $0x108  }
0x21: {  	s3 =	sadd.s32 s3, s9;
	s6 =	sadd.s32 @!p0 $0x88, s6;
	s7 =	simm.s32 @p2 $0x1082  }
0x22: {  	[simem:s7], [sflag:s8] =	dma.local @!p0 [hbm:s6], $0xF7A  }
0x23: {  	s9 =	sor.u32 $0xD0000000, s2;
	s6 =	simm.s32 $0x108;
	_ =	swait.ge @!p0 [sflag:s8], $0x0  }
0x24: {  	s3 =	sadd.s32 $0x88, s3;
	s6 =	simm.s32 @!p1 $0x1082;
	[sflag:s4] =	ssyncset.s32 $0xFFFFF086  }
0x25: {  	[simem:s6], [sflag:s4] =	dma.local [hbm:s3], $0xF7A  }
0x26: {  	[smem:$0x3F9E] =	sst s1;
	(tag) =	ssettag s2;
	_ =	strace s9  }
0x27: {  	s1 =	sld [smem:$0x3FAE]  }
0x28: {  	s2 =	sld [smem:$0x3FAF]  }
0x29: {  	s4 =	sld [smem:$0x3FB1]  }
0x2a: {  	p0 =	seq.s32 s5, $0x0;
	s5 =	sld [smem:$0x3FB2]  }
0x2b: {  	s6 =	sld [smem:$0x3FB3]  }
0x2c: {  	s7 =	sld [smem:$0x3FB4]  }
0x2d: {  	s3 =	simm.s32 $0x108;
	s8 =	sld [smem:$0x3FB5]  }
0x2e: {  	s3 =	simm.s32 @!p0 $0x1082;
	s9 =	sld [smem:$0x3FB6]  }
0x2f: {  	lr =	sadd.s32 s0, s3;
	s0 =	sld [smem:$0x3FAD]  }
0x30: {  	s3 =	sld [smem:$0x3FB0]  }
0x31: {  	[smem:$0x3FB9] =	sst s10  }
0x32: {  	s10 =	sld [smem:$0x3FB7];
	_ =	sdelay $0x3  }
0x33: {  	p0 =	seq.s32 s10, $0x1;
	s10 =	sld [smem:$0x3FB9];
	_ =	sdelay $0x3  }
0x34: {  	[smem:$0x3FB9] =	sst s10  }
0x35: {  	s10 =	sld [smem:$0x3FB8];
	_ =	sdelay $0x3  }
0x36: {  	p1 =	seq.s32 s10, $0x1;
	s10 =	sld [smem:$0x3FB9];
	_ =	sdelay $0x3  }
0x37: {  	[smem:$0x3FB9] =	sst s10  }
0x38: {  	s10 =	sld [smem:$0x3FBA]  }
0x39: {  	_ = 	snop;
	(pc) =	sbr.ind lr, $3  }
0x3a: {  	_ = 	snop  }
0x3b: {  	_ = 	snop  }
0x3c: {  	p2 =	seq.s32 s10, $0x1;
	s10 =	sld [smem:$0x3FB9]  }
0x3d: {  	_ =	shalt  }
0x3e: {  	_ =	shalt  }
0x3f: {  	_ =	shalt  }
0x40: {  	_ =	shalt  }
0x41: {  	_ =	shalt  }
0x42: {  	_ =	shalt  }
0x43: {  	_ =	shalt  }
0x44: {  	_ =	shalt  }
0x45: {  	_ =	shalt  }
0x46: {  	_ =	shalt  }
0x47: {  	_ =	shalt  }
0x48: {  	_ =	shalt  }
0x49: {  	_ =	shalt  }
0x4a: {  	_ =	shalt  }
0x4b: {  	_ =	shalt  }
0x4c: {  	_ =	shalt  }
0x4d: {  	_ =	shalt  }
0x4e: {  	_ =	shalt  }
0x4f: {  	_ =	shalt  }
0x50: {  	_ =	shalt  }
0x51: {  	_ =	shalt  }
0x52: {  	_ =	shalt  }
0x53: {  	_ =	shalt  }
0x54: {  	_ =	shalt  }
0x55: {  	_ =	shalt  }
0x56: {  	_ =	shalt  }
0x57: {  	_ =	shalt  }
0x58: {  	_ =	shalt  }
0x59: {  	_ =	shalt  }
0x5a: {  	_ =	shalt  }
0x5b: {  	_ =	shalt  }
0x5c: {  	_ =	shalt  }
0x5d: {  	_ =	shalt  }
0x5e: {  	_ =	shalt  }
0x5f: {  	_ =	shalt  }
0x60: {  	_ =	shalt  }
0x61: {  	_ =	shalt  }
0x62: {  	_ =	shalt  }
0x63: {  	_ =	shalt  }
0x64: {  	_ =	shalt  }
0x65: {  	_ =	shalt  }
0x66: {  	_ =	shalt  }
0x67: {  	_ =	shalt  }
0x68: {  	_ =	shalt  }
0x69: {  	_ =	shalt  }
0x6a: {  	_ =	shalt  }
0x6b: {  	_ =	shalt  }
0x6c: {  	_ =	shalt  }
0x6d: {  	_ =	shalt  }
0x6e: {  	_ =	shalt  }
0x6f: {  	_ =	shalt  }
0x70: {  	_ =	shalt  }
0x71: {  	_ =	shalt  }
0x72: {  	_ =	shalt  }
0x73: {  	_ =	shalt  }
0x74: {  	_ =	shalt  }
0x75: {  	_ =	shalt  }
0x76: {  	_ =	shalt  }
0x77: {  	_ =	shalt  }
0x78: {  	_ =	shalt  }
0x79: {  	_ =	shalt  }
0x7a: {  	_ =	shalt  }
0x7b: {  	_ =	shalt  }
0x7c: {  	_ =	shalt  }
0x7d: {  	_ =	shalt  }
0x7e: {  	_ =	shalt  }
0x7f: {  	_ =	shalt  }
0x80: {  	_ =	shalt  }
0x81: {  	_ =	shalt  }
0x82: {  	_ =	shalt  }
0x83: {  	_ =	shalt  }
0x84: {  	_ =	shalt  }
0x85: {  	_ =	shalt  }
0x86: {  	_ =	shalt  }
0x87: {  	_ =	shalt  }
.Lfunc_end0:
.L_simem_size_0:
called_computation_lowered:
.L_overlay_start_0:
0x88: {  	s2 =	sld [smem:$0x3FD9]  }
0x89: {  	s3 =	sld [smem:$0x3FFE];
	_ =	sdelay $0x1  }
0x8a: {  	s1 =	srdreg.scid  }
0x8b: {  	s0 =	sand.u32 $0x1, s1  }
0x8c: {  	s17 =	sshll.u32 s0, $0xA;
	s2 =	sadd.s32 s3, s2  }
0x8d: {  	s2 =	sadd.s32 s2, s17  }
0x8e: {  	[smem:$0x3FC5] =	sst s2  }
0x8f: {  	_ = 	snop  }
0x90: {  	s2 =	sld [smem:$0x3FD0];
	(tm) =	ssettm $0x1  }
0x91: {  	s18 =	sld [smem:$0x3FFB];
	_ =	sdelay $0x3  }
0x92: {  	_ =	strace s18  }
0x93: {  	s3 =	sld [smem:$0x3FFC];
	_ =	sdelay $0x3  }
0x94: {  	_ =	strace s3  }
0x95: {  	s3 =	sld [smem:$0x3FFD];
	_ =	sdelay $0x3  }
0x96: {  	_ =	strace s3  }
0x97: {  	_ =	strace $0x8FFFFFFF  }
0x98: {  	s19 =	sld [smem:$0x3FDB];
	_ =	sdelay $0x1  }
0x99: {  	s4 =	simm.s32 $_scs_section_size  }
0x9a: {  	s5 =	simm.s32 $_size__tile_overlayer_lowered;
	s6 =	simm.s32 $_tile_overlayer_lowered  }
0x9b: {  	s22 =	simm.s32 $0x1BFF;
	s21 =	sshll.u32 s6, $0x1;
	s3 =	sadd.s32 s4, s19  }
0x9c: {  	s7 =	simm.s32 $0x0;
	s20 =	sshll.u32 s5, $0x1;
	s5 =	sadd.s32 s21, s3  }
0x9d: {  	[timem:s7], [sflag:s22] =	dma.local [hbm:s5], s20  }
0x9e: {  	_ =	swait.ge [sflag:s22], s20  }
0x9f: {  	s4 =	ssub.s32 $0x0, s20;
	[sflag:s22] =	ssyncset.done $0x0  }
0xa0: {  	[sflag:s22] =	ssyncadd.s32 s4;
	_ =	sdelay $0x1  }
0xa1: {  	s23 =	simm.s32 $0x1B8B  }
0xa2: {  	_ =	swait.ge [sflag:s23], $0x1  }
0xa3: {  	[sflag:s23] =	ssyncset.done $0x0  }
0xa4: {  	s25 =	simm.s32 $0x1B8E;
	s24 =	sld [smem:$0x3FFE];
	[sflag:s23] =	ssyncadd.s32 $0xFFFFFFFF  }
0xa5: {  	s26 =	simm.s32 $execute0_lowered;
	[smem:$0x3FD2] =	sst s25  }
0xa6: {  	s5 =	sshll.u32 s26, $0x1;
	_ =	strace $0x80000046;
	[dreg:$0x1] =	wrdreg $0xFFFFFFFF  }
0xa7: {  	s28 =	simm.s32 $_size_execute0_lowered;
	s3 =	sadd.s32 s3, s5;
	[dreg:$0x0] =	wrdreg $0x0  }
0xa8: {  	s5 =	sshll.u32 s28, $0x1;
	[dreg:$0x2] =	wrdreg s3  }
0xa9: {  	[dreg:$0x3] =	wrdreg s5  }
0xaa: {  	[dreg:$0x4] =	wrdreg $0xC0  }
0xab: {  	_ =	task [dreg:s7], $0x5FFFF  }
0xac: {  	[dreg:$0x1] =	wrdreg $0xFFFFFFFF  }
0xad: {  	[dreg:$0x0] =	wrdreg $0x60  }
0xae: {  	[dreg:$0x2] =	wrdreg s2  }
0xaf: {  	[dreg:$0x3] =	wrdreg s24  }
0xb0: {  	[dreg:$0x4] =	wrdreg $0x9  }
0xb1: {  	_ =	task.clear_ibuf [dreg:s7], $0x5FFFF;
	_ =	strace $0x90000046  }
0xb2: {  	s29 =	simm.s32 $0x9;
	_ =	strace $0x80000048  }
0xb3: {  	_ =	swait.ge [sflag:s29], $0x1  }
0xb4: {  	[sflag:s29] =	ssyncadd.s32 $0xFFFFFFFF  }
0xb5: {  	_ =	strace $0x90000048  }
0xb6: {  	_ =	sfence  }
0xb7: {  	s30 =	sld [smem:$0x0];
	_ =	sdelay $0x2  }
0xb8: {  	s31 =	sshll.u32 s1, $0xD;
	s1 =	sshrl.u32 s1, $0x2  }
0xb9: {  	s3 =	sand.u32 $0x4000, s31;
	s1 =	sadd.s32 s1, s30  }
0xba: {  	s0 =	sor.u32 s3, s0;
	s1 =	sshll.u32 s1, $0x11  }
0xbb: {  	s0 =	sor.u32 s1, s0  }
0xbc: {  	s0 =	sadd.s32 $0x8F2B, s0  }
0xbd: {  	[sflag:s0] =	ssyncadd.remote.s32 $0x1  }
0xbe: {  	_ =	sfence.sel $0xFFFF  }
0xbf: {  	[dreg:$0x0] =	wrdreg $0xFFFFFFFF;
	(pc) =	sbr.abs _section_cstart, $3  }
0xc0: {  	[dreg:$0x1] =	wrdreg $0xFFFFFFFF  }
0xc1: {  	_ =	task.clear_ibuf [dreg:s7], $0x2FFFF;
	_ =	strace $0x9FFFFFFF  }
0xc2: {  	(tm) =	ssettm $0x7FFFFFFF  }
0xc3: {  	_ =	shalt  }
tec
execute0_lowered:
.L_overlay_start_1:
0x0: {  	(tag) =	ssettag $0x1  }
0x1: {  	s5 =	rddreg [dreg:$0x0]  }
0x2: {  	s6 =	rddreg [dreg:$0x1]  }
0x3: {  	s0 =	rddreg [dreg:$0x2]  }
0x4: {  	s2 =	simm.s32 $0x0;
	s3 =	srdreg.scid;
	s1 =	stileid.u32  }
0x5: {  	s11 =	simm.s32 $0x80;
	s12 =	simm.s32 $0x400;
	s13 =	simm.s32 $0x4400  }
0x6: {  	s14 =	simm.s32 $0x100;
	s15 =	simm.s32 $0x8400;
	s16 =	simm.s32 $0x180  }
0x7: {  	s17 =	simm.s32 $0xC400;
	s18 =	simm.s32 $0x1;
	s19 =	simm.s32 $0x2  }
0x8: {  	s20 =	simm.s32 $0x200;
	s21 =	simm.s32 $0x280;
	s22 =	simm.s32 $0x300  }
0x9: {  	s23 =	simm.s32 $0x380;
	s24 =	simm.s32 $0x0;
	[smem:$0x7FF] =	sst s2  }
0xa: {  	s7 =	sand.u32 $0x1, s3;
	s4 =	sshll.u32 s1, $0x1;
	s3 =	sadd.s32 $0xF43E00, s6  }
0xb: {  	_ =	strace $0x80000047;
	s8 =	sor.u32 s7, s4;
	s7 =	ssub.s32 $0x2, s7  }
0xc: {  	s4 =	sadd.s32 $0xF42E00, s6;
	s9 =	sshll.u32 s8, $0xE;
	s31 =	sshrl.u32 s7, $0x1  }
0xd: {  	s8 =	sshll.u32 s8, $0x7;
	s9 =	sadd.s32 s9, s6;
	s10 =	ssub.s32 s7, s31  }
0xe: {  	s5 =	sadd.s32 s5, s8;
	s6 =	sadd.s32 $0xA00, s9;
	s7 =	sadd.s32 $0x2A00, s9  }
0xf: {  	s8 =	smax.u32 s10, $0x1;
	s9 =	simm.s32 $0x10400;
	s10 =	simm.s32 $0x3  }
.LBB2_1:
0x10: {  	[tilespmem:s9], [sflag:$0x2] =	stream.linear.gather [hbm4b:s4+s2], $0x8000, $0x38;
	[tilespmem:$0x18400] =	vst v63  }
0x11: {  	_ = 	snop  }
0x12: {  	[tilespmem:s2], [sflag:$0x3] =	stream.linear.gather [hbm4b:s5+s2], $0x400, $0x38;
	[tilespmem:$0x18400] =	vst v63  }
0x13: {  	_ =	swait.ge [sflag:s10], $0x400  }
0x14: {  	[sflag:s10] =	ssyncset.done $0x0  }
0x15: {  	[sflag:s10] =	ssyncadd.s32 $0xFFFFFC00  }
0x16: {  	[tilespmem:s12], [sflag:$0x1] =	stream.indirect.gather [hbm4b:s3+s11], $0x80, s2, s11, $0xb8;
	[tilespmem:$0x18400] =	vst v63  }
0x17: {  	_ = 	snop  }
0x18: {  	[tilespmem:s13], [sflag:$0x1] =	stream.indirect.gather [hbm4b:s3+s11], $0x80, s11, s11, $0xb8;
	[tilespmem:$0x18400] =	vst v63  }
0x19: {  	_ = 	snop  }
0x1a: {  	[tilespmem:s15], [sflag:$0x1] =	stream.indirect.gather [hbm4b:s3+s11], $0x80, s14, s11, $0xb8;
	[tilespmem:$0x18400] =	vst v63  }
0x1b: {  	_ = 	snop  }
0x1c: {  	[tilespmem:s17], [sflag:$0x1] =	stream.indirect.gather [hbm4b:s3+s11], $0x80, s16, s11, $0xb8;
	[tilespmem:$0x18400] =	vst v63  }
0x1d: {  	_ =	swait.ge [sflag:s18], $0x4000  }
0x1e: {  	[sflag:s18] =	ssyncset.done $0x0  }
0x1f: {  	[sflag:s18] =	ssyncadd.s32 $0xFFFFC000  }
0x20: {  	_ =	swait.ge [sflag:s18], $0x4000  }
0x21: {  	[sflag:s18] =	ssyncset.done $0x0  }
0x22: {  	[sflag:s18] =	ssyncadd.s32 $0xFFFFC000  }
0x23: {  	_ =	swait.ge [sflag:s18], $0x4000  }
0x24: {  	[sflag:s18] =	ssyncset.done $0x0  }
0x25: {  	[sflag:s18] =	ssyncadd.s32 $0xFFFFC000  }
0x26: {  	_ =	swait.ge [sflag:s18], $0x4000  }
0x27: {  	[sflag:s18] =	ssyncset.done $0x0  }
0x28: {  	[sflag:s18] =	ssyncadd.s32 $0xFFFFC000  }
0x29: {  	_ =	swait.ge [sflag:s19], $0x8000  }
0x2a: {  	[sflag:s19] =	ssyncset.done $0x0  }
0x2b: {  	s25 =	simm.s32 $0x420;
	[sflag:s19] =	ssyncadd.s32 $0xFFFF8000  }
0x2c: {  	s28 =	simm.s32 $0x0;
	s29 =	simm.s32 $0x100;
	s26 =	simm.s32 $0x420;
	v0 =	vld [tilespmem:s25+$0xFFFFFFE0]  }
.LBB2_2:
0x2d: {  	p0 =	sne.s32 s29, $0x1FF00;
	v1 =	vld [tilespmem:s28+$0x10400];
	_ =	sdelay $0x4  }
0x2e: {  	v0 =	vadd.f32 v1, v0;
	_ =	sdelay $0x1  }
0x2f: {  	[tilespmem:s25+$0xFFFFFFE0] =	vst v0;
	v0 =	vld [tilespmem:s25+$0xFFFFFFF0]  }
0x30: {  	v1 =	vld [tilespmem:s28+$0x10410];
	_ =	sdelay $0x4  }
0x31: {  	v0 =	vadd.f32 v1, v0;
	_ =	sdelay $0x1  }
0x32: {  	[tilespmem:s25+$0xFFFFFFF0] =	vst v0;
	v0 =	vld [tilespmem:s25+$0x0]  }
0x33: {  	v1 =	vld [tilespmem:s28+$0x10420];
	_ =	sdelay $0x4  }
0x34: {  	v0 =	vadd.f32 v1, v0;
	_ =	sdelay $0x1  }
0x35: {  	[tilespmem:s25+$0x0] =	vst v0;
	v0 =	vld [tilespmem:s25+$0x10]  }
0x36: {  	v1 =	vld [tilespmem:s28+$0x10430];
	_ =	sdelay $0x2  }
.Ltmp0:
0x37: {  	(pc) =	sbr.rel @p0 .LBB2_2-.Ltmp0, $4  }
0x38: {  	_ = 	snop  }
0x39: {  	v1 =	vadd.f32 v1, v0  }
0x3a: {  	s25 =	sadd.s32 $0x80, s25  }
0x3b: {  	s28 =	sshra.s32 s29, $0x2;
	s29 =	sadd.s32 $0x100, s29;
	v0 =	vld [tilespmem:s25+$0xFFFFFFE0];
	[tilespmem:s26+$0x10] =	vst v1;
	s26 =	smov.u32 s25  }
0x3c: {  	v1 =	vld [tilespmem:s28+$0x10400];
	_ =	sdelay $0x4  }
0x3d: {  	v0 =	vadd.f32 v1, v0;
	_ =	sdelay $0x1  }
0x3e: {  	[tilespmem:s25+$0xFFFFFFE0] =	vst v0;
	v0 =	vld [tilespmem:s25+$0xFFFFFFF0]  }
0x3f: {  	v1 =	vld [tilespmem:s28+$0x10410];
	_ =	sdelay $0x4  }
0x40: {  	v0 =	vadd.f32 v1, v0;
	_ =	sdelay $0x1  }
0x41: {  	[tilespmem:s25+$0xFFFFFFF0] =	vst v0;
	v0 =	vld [tilespmem:s25+$0x0]  }
0x42: {  	v1 =	vld [tilespmem:s28+$0x10420];
	_ =	sdelay $0x4  }
0x43: {  	v0 =	vadd.f32 v1, v0;
	_ =	sdelay $0x1  }
0x44: {  	[tilespmem:s25+$0x0] =	vst v0;
	v0 =	vld [tilespmem:s25+$0x10]  }
0x45: {  	v1 =	vld [tilespmem:s28+$0x10430];
	_ =	sdelay $0x4  }
0x46: {  	v0 =	vadd.f32 v1, v0;
	_ =	sdelay $0x1  }
0x47: {  	s31 =	simm.s32 $0x0;
	[tilespmem:s26+$0x10] =	vst v0  }
0x48: {  	[hbm4b:s6+s31] =	stream.linear.scatter [tilespmem:s12], [sflag:$0x3], $0x10000, $0x38;
	[tilespmem:$0x18400] =	vst v63  }
0x49: {  	_ =	swait.ge [sflag:s10], $0x10000  }
0x4a: {  	[sflag:s10] =	ssyncset.done $0x0  }
0x4b: {  	[sflag:s10] =	ssyncadd.s32 $0xFFFF0000  }
0x4c: {  	[tilespmem:s12], [sflag:$0x1] =	stream.indirect.gather [hbm4b:s3+s11], $0x80, s20, s11, $0xb8;
	[tilespmem:$0x18400] =	vst v63  }
0x4d: {  	_ = 	snop  }
0x4e: {  	[tilespmem:s13], [sflag:$0x1] =	stream.indirect.gather [hbm4b:s3+s11], $0x80, s21, s11, $0xb8;
	[tilespmem:$0x18400] =	vst v63  }
0x4f: {  	_ = 	snop  }
0x50: {  	[tilespmem:s15], [sflag:$0x1] =	stream.indirect.gather [hbm4b:s3+s11], $0x80, s22, s11, $0xb8;
	[tilespmem:$0x18400] =	vst v63  }
0x51: {  	_ = 	snop  }
0x52: {  	[tilespmem:s17], [sflag:$0x1] =	stream.indirect.gather [hbm4b:s3+s11], $0x80, s23, s11, $0xb8;
	[tilespmem:$0x18400] =	vst v63  }
0x53: {  	_ =	swait.ge [sflag:s18], $0x4000  }
0x54: {  	[sflag:s18] =	ssyncset.done $0x0  }
0x55: {  	[sflag:s18] =	ssyncadd.s32 $0xFFFFC000  }
0x56: {  	_ =	swait.ge [sflag:s18], $0x4000  }
0x57: {  	[sflag:s18] =	ssyncset.done $0x0  }
0x58: {  	[sflag:s18] =	ssyncadd.s32 $0xFFFFC000  }
0x59: {  	_ =	swait.ge [sflag:s18], $0x4000  }
0x5a: {  	[sflag:s18] =	ssyncset.done $0x0  }
0x5b: {  	[sflag:s18] =	ssyncadd.s32 $0xFFFFC000  }
0x5c: {  	_ =	swait.ge [sflag:s18], $0x4000  }
0x5d: {  	[sflag:s18] =	ssyncset.done $0x0  }
0x5e: {  	s25 =	simm.s32 $0x420;
	[sflag:s18] =	ssyncadd.s32 $0xFFFFC000  }
0x5f: {  	s29 =	simm.s32 $0x100;
	s28 =	simm.s32 $0x0;
	s26 =	simm.s32 $0x420;
	v0 =	vld [tilespmem:s25+$0xFFFFFFE0]  }
.LBB2_4:
0x60: {  	p0 =	sne.s32 s29, $0x1FF00;
	v1 =	vld [tilespmem:s28+$0x10400];
	_ =	sdelay $0x4  }
0x61: {  	v0 =	vadd.f32 v1, v0;
	_ =	sdelay $0x1  }
0x62: {  	[tilespmem:s25+$0xFFFFFFE0] =	vst v0;
	v0 =	vld [tilespmem:s25+$0xFFFFFFF0]  }
0x63: {  	v1 =	vld [tilespmem:s28+$0x10410];
	_ =	sdelay $0x4  }
0x64: {  	v0 =	vadd.f32 v1, v0;
	_ =	sdelay $0x1  }
0x65: {  	[tilespmem:s25+$0xFFFFFFF0] =	vst v0;
	v0 =	vld [tilespmem:s25+$0x0]  }
0x66: {  	v1 =	vld [tilespmem:s28+$0x10420];
	_ =	sdelay $0x4  }
0x67: {  	v0 =	vadd.f32 v1, v0;
	_ =	sdelay $0x1  }
0x68: {  	[tilespmem:s25+$0x0] =	vst v0;
	v0 =	vld [tilespmem:s25+$0x10]  }
0x69: {  	v1 =	vld [tilespmem:s28+$0x10430];
	_ =	sdelay $0x2  }
.Ltmp1:
0x6a: {  	(pc) =	sbr.rel @p0 .LBB2_4-.Ltmp1, $4  }
0x6b: {  	_ = 	snop  }
0x6c: {  	v1 =	vadd.f32 v1, v0  }
0x6d: {  	s25 =	sadd.s32 $0x80, s25  }
0x6e: {  	s28 =	sshra.s32 s29, $0x2;
	s29 =	sadd.s32 $0x100, s29;
	v0 =	vld [tilespmem:s25+$0xFFFFFFE0];
	[tilespmem:s26+$0x10] =	vst v1;
	s26 =	smov.u32 s25  }
0x6f: {  	v1 =	vld [tilespmem:s28+$0x10400];
	_ =	sdelay $0x4  }
0x70: {  	v0 =	vadd.f32 v1, v0;
	_ =	sdelay $0x1  }
0x71: {  	v58 =	vld [tilespmem:s25+$0xFFFFFFF0];
	[tilespmem:s25+$0xFFFFFFE0] =	vst v0  }
0x72: {  	v59 =	vld [tilespmem:s28+$0x10410];
	_ =	sdelay $0x4  }
0x73: {  	v0 =	vadd.f32 v59, v58;
	_ =	sdelay $0x1  }
0x74: {  	v60 =	vld [tilespmem:s25+$0x0];
	[tilespmem:s25+$0xFFFFFFF0] =	vst v0  }
0x75: {  	v61 =	vld [tilespmem:s28+$0x10420];
	_ =	sdelay $0x4  }
0x76: {  	v0 =	vadd.f32 v61, v60;
	_ =	sdelay $0x1  }
0x77: {  	v62 =	vld [tilespmem:s25+$0x10];
	[tilespmem:s25+$0x0] =	vst v0  }
0x78: {  	v63 =	vld [tilespmem:s28+$0x10430];
	_ =	sdelay $0x4  }
0x79: {  	s24 =	sadd.s32 $0x1, s24;
	v0 =	vadd.f32 v63, v62  }
0x7a: {  	p0 =	sne.s32 s24, s8  }
.Ltmp2:
0x7b: {  	[tilespmem:s26+$0x10] =	vst v0;
	(pc) =	sbr.rel @p0 .LBB2_1-.Ltmp2, $4  }
0x7c: {  	[hbm4b:s7+s2] =	stream.linear.scatter [tilespmem:s12], [sflag:$0x3], $0x10000, $0x38;
	[tilespmem:$0x18400] =	vst v63  }
0x7d: {  	_ =	swait.ge [sflag:s10], $0x10000  }
0x7e: {  	[sflag:s10] =	ssyncset.done $0x0  }
0x7f: {  	[sflag:s10] =	ssyncadd.s32 $0xFFFF0000  }
0x80: {  	_ =	sfence.sel $0x180000  }
0x81: {  	[bflag:$0x0] =	sbarrier.arrive $0xFFFF  }
0x82: {  	p0 =	sne.s32 s1, $0x0;
	_ =	strace $0x90000047  }
0x83: {  	s0 =	sadd.s32 @!p0 $0x100000, s0;
	[bflag:$0x2] =	sbarrier.arrive $0xFFFF  }
0x84: {  	[sflag:s0] =	ssyncadd.tile.s32 @!p0 $0x1;
	_ =	shalt  }
.Lfunc_end2:
_tile_overlayer_lowered:
.L_overlay_start_2:
0x85: {  	(tag) =	ssettag $0x2  }
0x86: {  	s0 =	rddreg [dreg:$0x0];
	s2 =	stileid.u32  }
0x87: {  	s1 =	rddreg [dreg:$0x1];
	p0 =	sne.s32 s2, $0x0  }
0x88: {  	s3 =	rddreg [dreg:$0x2];
	[bflag:$0x3] =	sbarrier.arrive $0xFFFF;
	s2 =	simm.s32 @!p0 $0x1C03  }
0x89: {  	[timem:s3], [sflag:s2] =	dma.local @!p0 [hbm:s0], s1  }
0x8a: {  	s0 =	simm.s32 @!p0 $0x3  }
0x8b: {  	_ =	swait.ge @!p0 [sflag:s0], s1  }
0x8c: {  	s1 =	ssub.s32 @!p0 $0x0, s1;
	[sflag:s0] =	ssyncset.done @!p0 $0x0  }
0x8d: {  	[sflag:s0] =	ssyncadd.s32 @!p0 s1  }
0x8e: {  	[bflag:$0x3] =	sbarrier.arrive $0xFFFF  }
0x8f: {  	_ =	shalt  }

</sc_bundles>
